<compile_context>
chip_gen: v7x
topology: tpu7x:2x2x1
jax: 0.10.2.dev20260603
libtpu: 0.0.44.dev20260713+nightly
codegen_flags: <defaults>
</compile_context>

<pallas_src>
import functools

import jax
import jax.numpy as jnp
from jax import lax
from jax.experimental import pallas as pl
from jax.experimental.pallas import tpu as pltpu
from jax.experimental.pallas import tpu_sc as plsc


def kernel(x, table):
    B = x.shape[0]
    V, D = table.shape

    info = plsc.get_sparse_core_info()
    NC, NS = info.num_cores, info.num_subcores
    NW = NC * NS
    assert B % NW == 0
    b_per_w = B // NW

    mesh = plsc.VectorSubcoreMesh(core_axis_name="c", subcore_axis_name="s")

    @functools.partial(
        pl.kernel,
        mesh=mesh,
        out_type=jax.ShapeDtypeStruct((B, D), jnp.float32),
        scratch_types=[
            pltpu.VMEM((b_per_w,), jnp.int32),
            pltpu.VMEM((b_per_w, D), jnp.float32),
            pltpu.VMEM_SHARED((V, D), jnp.float32),
            pltpu.SemaphoreType.DMA,
            pltpu.SemaphoreType.DMA,
        ],
        compiler_params=pltpu.CompilerParams(
            use_tc_tiling_on_sc=False,
            skip_device_barrier=True,
        ),
    )
    def gather_kernel(
        table_hbm, idx_hbm, out_hbm, idx_v, rows_v, tab_sp, sem_g, sem_s
    ):
        sid = lax.axis_index("s")
        wid = sid * NC + lax.axis_index("c")
        base = wid * b_per_w

        nstage = 8
        vs = V // nstage
        for t in range(nstage):

            @pl.when(sid == t)
            def _(t=t):
                pltpu.sync_copy(
                    table_hbm.at[pl.ds(t * vs, vs)],
                    tab_sp.at[pl.ds(t * vs, vs)],
                )

        pltpu.sync_copy(idx_hbm.at[pl.ds(base, b_per_w)], idx_v)
        plsc.subcore_barrier()
        nchunk = 4
        c = b_per_w // nchunk
        gathers = [
            pltpu.async_copy(
                tab_sp.at[idx_v.at[pl.ds(k * c, c)]],
                rows_v.at[pl.ds(k * c, c)], sem_g)
            for k in range(nchunk)
        ]
        stores = []
        for k in range(nchunk):
            gathers[k].wait()
            stores.append(
                pltpu.async_copy(
                    rows_v.at[pl.ds(k * c, c)],
                    out_hbm.at[pl.ds(base + k * c, c)], sem_s))
        for s in stores:
            s.wait()

    return gather_kernel(table, x.astype(jnp.int32))

# --- scband reference (transcript-rebuilt; emitter-appended) ---
"""Pipeline reference for scband-time-embedder-15083925143874 (READ-ONLY COPY).

The authoritative reference and input builder live on the scoring server;
editing this copy changes nothing except your own understanding.
"""

import jax, jax.numpy as jnp
import numpy as np

TIME_STEPS = 1000
EMBED_DIM = 64
BATCH = 16384

def setup_inputs(seed: int = 0) -> dict:
    key = jax.random.key(seed)
    k_idx, k_w = jax.random.split(key)
    x = jax.random.randint(k_idx, (BATCH,), 0, TIME_STEPS, dtype=jnp.int64 if jax.config.jax_enable_x64 else jnp.int32)
    table = 0.02 * jax.random.normal(k_w, (TIME_STEPS, EMBED_DIM), dtype=jnp.float32)
    return {"x": x, "table": table}

def reference(x, table):
    # nn.Embedding lookup: gather rows of the table
    return jnp.take(table, x, axis=0)

if __name__ == "__main__":
    import jax
    _d = setup_inputs()
    print(jax.jit(kernel)(*tuple(_d.values())))

</pallas_src>

<mosaic_0001>
#map = affine_map<(d0, d1) -> (0, 0)>
#map1 = affine_map<(d0, d1) -> (0)>
module attributes {stable_mosaic.version = 14 : i64} {
  func.func @gather_kernel(%arg0: i32, %arg1: i32, %arg2: memref<1000x64xf32, #tpu.memory_space<hbm>>, %arg3: memref<16384xi32, #tpu.memory_space<hbm>>, %arg4: memref<16384x64xf32, #tpu.memory_space<hbm>>, %arg5: memref<512xi32, #tpu.memory_space<vmem>>, %arg6: memref<512x64xf32, #tpu.memory_space<vmem>>, %arg7: memref<1000x64xf32, #tpu.memory_space<vmem_shared>>, %arg8: memref<!tpu.dma_semaphore, #tpu.memory_space<semaphore_mem>>, %arg9: memref<!tpu.dma_semaphore, #tpu.memory_space<semaphore_mem>>) attributes {dimension_semantics = [#tpu.dimension_semantics<core_parallel>, #tpu.dimension_semantics<subcore_parallel>], iteration_bounds = array<i64: 2, 16>, scalar_prefetch = 0 : i64, scratch_operands = 5 : i64, tpu.core_type = #tpu.core_type<sc_vector_subcore>, window_params = [{transform_indices = #map}, {transform_indices = #map1}, {transform_indices = #map}]} {
    %mul3A = arith.constant 2 : i32
    %mul3A_0 = arith.muli %arg1, %mul3A : i32
    %add3A = arith.addi %mul3A_0, %arg0 : i32
    %mul3A_1 = arith.constant 512 : i32
    %mul3A_2 = arith.muli %add3A, %mul3A_1 : i32
    %eq3A = arith.constant 0 : i32
    %eq3A_3 = arith.cmpi eq, %arg1, %eq3A : i32
    %convert_element_type3A = arith.extui %eq3A_3 : i1 to i32
    %cond3A = arith.constant 0 : i32
    %cond3A_4 = arith.cmpi ne, %convert_element_type3A, %cond3A : i32
    scf.if %cond3A_4 {
      "tpu.region"() ({
        %run_scoped3A = tpu.sem_alloc : memref<!tpu.dma_semaphore, #tpu.memory_space<semaphore_mem>>
        %dma_start3A_190 = arith.constant 0 : i32
        %dma_start3A_191 = arith.constant 0 : i32
        %dma_start3A_192 = tpu.memref_slice %arg7[%dma_start3A_190, %dma_start3A_191] : memref<1000x64xf32, #tpu.memory_space<vmem_shared>> -> memref<125x64xf32, #tpu.memory_space<vmem_shared>>
        %dma_start3A_193 = arith.constant 0 : i32
        %dma_start3A_194 = arith.constant 0 : i32
        %dma_start3A_195 = tpu.memref_slice %arg2[%dma_start3A_193, %dma_start3A_194] : memref<1000x64xf32, #tpu.memory_space<hbm>> -> memref<125x64xf32, #tpu.memory_space<hbm>>
        tpu.enqueue_dma source(%dma_start3A_195 : memref<125x64xf32, #tpu.memory_space<hbm>>) target(%dma_start3A_192 : memref<125x64xf32, #tpu.memory_space<vmem_shared>>) target_semaphore(%run_scoped3A : memref<!tpu.dma_semaphore, #tpu.memory_space<semaphore_mem>>)
        %dma_wait3A_196 = arith.constant 0 : i32
        %dma_wait3A_197 = arith.constant 0 : i32
        %dma_wait3A_198 = tpu.memref_slice %arg7[%dma_wait3A_196, %dma_wait3A_197] : memref<1000x64xf32, #tpu.memory_space<vmem_shared>> -> memref<125x64xf32, #tpu.memory_space<vmem_shared>>
        %dma_wait3A_199 = arith.constant 0 : i32
        %dma_wait3A_200 = arith.constant 0 : i32
        %dma_wait3A_201 = tpu.memref_slice %arg2[%dma_wait3A_199, %dma_wait3A_200] : memref<1000x64xf32, #tpu.memory_space<hbm>> -> memref<125x64xf32, #tpu.memory_space<hbm>>
        tpu.wait_dma2 semaphore(%run_scoped3A : memref<!tpu.dma_semaphore, #tpu.memory_space<semaphore_mem>>) src(%dma_wait3A_201 : memref<125x64xf32, #tpu.memory_space<hbm>>) dst(%dma_wait3A_198 : memref<125x64xf32, #tpu.memory_space<vmem_shared>>)
        tpu.yield
      }) : () -> ()
    } else {
    }
    %eq3A_5 = arith.constant 1 : i32
    %eq3A_6 = arith.cmpi eq, %arg1, %eq3A_5 : i32
    %convert_element_type3A_7 = arith.extui %eq3A_6 : i1 to i32
    %cond3A_8 = arith.constant 0 : i32
    %cond3A_9 = arith.cmpi ne, %convert_element_type3A_7, %cond3A_8 : i32
    scf.if %cond3A_9 {
      "tpu.region"() ({
        %run_scoped3A = tpu.sem_alloc : memref<!tpu.dma_semaphore, #tpu.memory_space<semaphore_mem>>
        %dma_start3A_190 = arith.constant 125 : i32
        %dma_start3A_191 = arith.constant 0 : i32
        %dma_start3A_192 = tpu.memref_slice %arg7[%dma_start3A_190, %dma_start3A_191] : memref<1000x64xf32, #tpu.memory_space<vmem_shared>> -> memref<125x64xf32, #tpu.memory_space<vmem_shared>>
        %dma_start3A_193 = arith.constant 125 : i32
        %dma_start3A_194 = arith.constant 0 : i32
        %dma_start3A_195 = tpu.memref_slice %arg2[%dma_start3A_193, %dma_start3A_194] : memref<1000x64xf32, #tpu.memory_space<hbm>> -> memref<125x64xf32, #tpu.memory_space<hbm>>
        tpu.enqueue_dma source(%dma_start3A_195 : memref<125x64xf32, #tpu.memory_space<hbm>>) target(%dma_start3A_192 : memref<125x64xf32, #tpu.memory_space<vmem_shared>>) target_semaphore(%run_scoped3A : memref<!tpu.dma_semaphore, #tpu.memory_space<semaphore_mem>>)
        %dma_wait3A_196 = arith.constant 125 : i32
        %dma_wait3A_197 = arith.constant 0 : i32
        %dma_wait3A_198 = tpu.memref_slice %arg7[%dma_wait3A_196, %dma_wait3A_197] : memref<1000x64xf32, #tpu.memory_space<vmem_shared>> -> memref<125x64xf32, #tpu.memory_space<vmem_shared>>
        %dma_wait3A_199 = arith.constant 125 : i32
        %dma_wait3A_200 = arith.constant 0 : i32
        %dma_wait3A_201 = tpu.memref_slice %arg2[%dma_wait3A_199, %dma_wait3A_200] : memref<1000x64xf32, #tpu.memory_space<hbm>> -> memref<125x64xf32, #tpu.memory_space<hbm>>
        tpu.wait_dma2 semaphore(%run_scoped3A : memref<!tpu.dma_semaphore, #tpu.memory_space<semaphore_mem>>) src(%dma_wait3A_201 : memref<125x64xf32, #tpu.memory_space<hbm>>) dst(%dma_wait3A_198 : memref<125x64xf32, #tpu.memory_space<vmem_shared>>)
        tpu.yield
      }) : () -> ()
    } else {
    }
    %eq3A_10 = arith.constant 2 : i32
    %eq3A_11 = arith.cmpi eq, %arg1, %eq3A_10 : i32
    %convert_element_type3A_12 = arith.extui %eq3A_11 : i1 to i32
    %cond3A_13 = arith.constant 0 : i32
    %cond3A_14 = arith.cmpi ne, %convert_element_type3A_12, %cond3A_13 : i32
    scf.if %cond3A_14 {
      "tpu.region"() ({
        %run_scoped3A = tpu.sem_alloc : memref<!tpu.dma_semaphore, #tpu.memory_space<semaphore_mem>>
        %dma_start3A_190 = arith.constant 250 : i32
        %dma_start3A_191 = arith.constant 0 : i32
        %dma_start3A_192 = tpu.memref_slice %arg7[%dma_start3A_190, %dma_start3A_191] : memref<1000x64xf32, #tpu.memory_space<vmem_shared>> -> memref<125x64xf32, #tpu.memory_space<vmem_shared>>
        %dma_start3A_193 = arith.constant 250 : i32
        %dma_start3A_194 = arith.constant 0 : i32
        %dma_start3A_195 = tpu.memref_slice %arg2[%dma_start3A_193, %dma_start3A_194] : memref<1000x64xf32, #tpu.memory_space<hbm>> -> memref<125x64xf32, #tpu.memory_space<hbm>>
        tpu.enqueue_dma source(%dma_start3A_195 : memref<125x64xf32, #tpu.memory_space<hbm>>) target(%dma_start3A_192 : memref<125x64xf32, #tpu.memory_space<vmem_shared>>) target_semaphore(%run_scoped3A : memref<!tpu.dma_semaphore, #tpu.memory_space<semaphore_mem>>)
        %dma_wait3A_196 = arith.constant 250 : i32
        %dma_wait3A_197 = arith.constant 0 : i32
        %dma_wait3A_198 = tpu.memref_slice %arg7[%dma_wait3A_196, %dma_wait3A_197] : memref<1000x64xf32, #tpu.memory_space<vmem_shared>> -> memref<125x64xf32, #tpu.memory_space<vmem_shared>>
        %dma_wait3A_199 = arith.constant 250 : i32
        %dma_wait3A_200 = arith.constant 0 : i32
        %dma_wait3A_201 = tpu.memref_slice %arg2[%dma_wait3A_199, %dma_wait3A_200] : memref<1000x64xf32, #tpu.memory_space<hbm>> -> memref<125x64xf32, #tpu.memory_space<hbm>>
        tpu.wait_dma2 semaphore(%run_scoped3A : memref<!tpu.dma_semaphore, #tpu.memory_space<semaphore_mem>>) src(%dma_wait3A_201 : memref<125x64xf32, #tpu.memory_space<hbm>>) dst(%dma_wait3A_198 : memref<125x64xf32, #tpu.memory_space<vmem_shared>>)
        tpu.yield
      }) : () -> ()
    } else {
    }
    %eq3A_15 = arith.constant 3 : i32
    %eq3A_16 = arith.cmpi eq, %arg1, %eq3A_15 : i32
    %convert_element_type3A_17 = arith.extui %eq3A_16 : i1 to i32
    %cond3A_18 = arith.constant 0 : i32
    %cond3A_19 = arith.cmpi ne, %convert_element_type3A_17, %cond3A_18 : i32
    scf.if %cond3A_19 {
      "tpu.region"() ({
        %run_scoped3A = tpu.sem_alloc : memref<!tpu.dma_semaphore, #tpu.memory_space<semaphore_mem>>
        %dma_start3A_190 = arith.constant 375 : i32
        %dma_start3A_191 = arith.constant 0 : i32
        %dma_start3A_192 = tpu.memref_slice %arg7[%dma_start3A_190, %dma_start3A_191] : memref<1000x64xf32, #tpu.memory_space<vmem_shared>> -> memref<125x64xf32, #tpu.memory_space<vmem_shared>>
        %dma_start3A_193 = arith.constant 375 : i32
        %dma_start3A_194 = arith.constant 0 : i32
        %dma_start3A_195 = tpu.memref_slice %arg2[%dma_start3A_193, %dma_start3A_194] : memref<1000x64xf32, #tpu.memory_space<hbm>> -> memref<125x64xf32, #tpu.memory_space<hbm>>
        tpu.enqueue_dma source(%dma_start3A_195 : memref<125x64xf32, #tpu.memory_space<hbm>>) target(%dma_start3A_192 : memref<125x64xf32, #tpu.memory_space<vmem_shared>>) target_semaphore(%run_scoped3A : memref<!tpu.dma_semaphore, #tpu.memory_space<semaphore_mem>>)
        %dma_wait3A_196 = arith.constant 375 : i32
        %dma_wait3A_197 = arith.constant 0 : i32
        %dma_wait3A_198 = tpu.memref_slice %arg7[%dma_wait3A_196, %dma_wait3A_197] : memref<1000x64xf32, #tpu.memory_space<vmem_shared>> -> memref<125x64xf32, #tpu.memory_space<vmem_shared>>
        %dma_wait3A_199 = arith.constant 375 : i32
        %dma_wait3A_200 = arith.constant 0 : i32
        %dma_wait3A_201 = tpu.memref_slice %arg2[%dma_wait3A_199, %dma_wait3A_200] : memref<1000x64xf32, #tpu.memory_space<hbm>> -> memref<125x64xf32, #tpu.memory_space<hbm>>
        tpu.wait_dma2 semaphore(%run_scoped3A : memref<!tpu.dma_semaphore, #tpu.memory_space<semaphore_mem>>) src(%dma_wait3A_201 : memref<125x64xf32, #tpu.memory_space<hbm>>) dst(%dma_wait3A_198 : memref<125x64xf32, #tpu.memory_space<vmem_shared>>)
        tpu.yield
      }) : () -> ()
    } else {
    }
    %eq3A_20 = arith.constant 4 : i32
    %eq3A_21 = arith.cmpi eq, %arg1, %eq3A_20 : i32
    %convert_element_type3A_22 = arith.extui %eq3A_21 : i1 to i32
    %cond3A_23 = arith.constant 0 : i32
    %cond3A_24 = arith.cmpi ne, %convert_element_type3A_22, %cond3A_23 : i32
    scf.if %cond3A_24 {
      "tpu.region"() ({
        %run_scoped3A = tpu.sem_alloc : memref<!tpu.dma_semaphore, #tpu.memory_space<semaphore_mem>>
        %dma_start3A_190 = arith.constant 500 : i32
        %dma_start3A_191 = arith.constant 0 : i32
        %dma_start3A_192 = tpu.memref_slice %arg7[%dma_start3A_190, %dma_start3A_191] : memref<1000x64xf32, #tpu.memory_space<vmem_shared>> -> memref<125x64xf32, #tpu.memory_space<vmem_shared>>
        %dma_start3A_193 = arith.constant 500 : i32
        %dma_start3A_194 = arith.constant 0 : i32
        %dma_start3A_195 = tpu.memref_slice %arg2[%dma_start3A_193, %dma_start3A_194] : memref<1000x64xf32, #tpu.memory_space<hbm>> -> memref<125x64xf32, #tpu.memory_space<hbm>>
        tpu.enqueue_dma source(%dma_start3A_195 : memref<125x64xf32, #tpu.memory_space<hbm>>) target(%dma_start3A_192 : memref<125x64xf32, #tpu.memory_space<vmem_shared>>) target_semaphore(%run_scoped3A : memref<!tpu.dma_semaphore, #tpu.memory_space<semaphore_mem>>)
        %dma_wait3A_196 = arith.constant 500 : i32
        %dma_wait3A_197 = arith.constant 0 : i32
        %dma_wait3A_198 = tpu.memref_slice %arg7[%dma_wait3A_196, %dma_wait3A_197] : memref<1000x64xf32, #tpu.memory_space<vmem_shared>> -> memref<125x64xf32, #tpu.memory_space<vmem_shared>>
        %dma_wait3A_199 = arith.constant 500 : i32
        %dma_wait3A_200 = arith.constant 0 : i32
        %dma_wait3A_201 = tpu.memref_slice %arg2[%dma_wait3A_199, %dma_wait3A_200] : memref<1000x64xf32, #tpu.memory_space<hbm>> -> memref<125x64xf32, #tpu.memory_space<hbm>>
        tpu.wait_dma2 semaphore(%run_scoped3A : memref<!tpu.dma_semaphore, #tpu.memory_space<semaphore_mem>>) src(%dma_wait3A_201 : memref<125x64xf32, #tpu.memory_space<hbm>>) dst(%dma_wait3A_198 : memref<125x64xf32, #tpu.memory_space<vmem_shared>>)
        tpu.yield
      }) : () -> ()
    } else {
    }
    %eq3A_25 = arith.constant 5 : i32
    %eq3A_26 = arith.cmpi eq, %arg1, %eq3A_25 : i32
    %convert_element_type3A_27 = arith.extui %eq3A_26 : i1 to i32
    %cond3A_28 = arith.constant 0 : i32
    %cond3A_29 = arith.cmpi ne, %convert_element_type3A_27, %cond3A_28 : i32
    scf.if %cond3A_29 {
      "tpu.region"() ({
        %run_scoped3A = tpu.sem_alloc : memref<!tpu.dma_semaphore, #tpu.memory_space<semaphore_mem>>
        %dma_start3A_190 = arith.constant 625 : i32
        %dma_start3A_191 = arith.constant 0 : i32
        %dma_start3A_192 = tpu.memref_slice %arg7[%dma_start3A_190, %dma_start3A_191] : memref<1000x64xf32, #tpu.memory_space<vmem_shared>> -> memref<125x64xf32, #tpu.memory_space<vmem_shared>>
        %dma_start3A_193 = arith.constant 625 : i32
        %dma_start3A_194 = arith.constant 0 : i32
        %dma_start3A_195 = tpu.memref_slice %arg2[%dma_start3A_193, %dma_start3A_194] : memref<1000x64xf32, #tpu.memory_space<hbm>> -> memref<125x64xf32, #tpu.memory_space<hbm>>
        tpu.enqueue_dma source(%dma_start3A_195 : memref<125x64xf32, #tpu.memory_space<hbm>>) target(%dma_start3A_192 : memref<125x64xf32, #tpu.memory_space<vmem_shared>>) target_semaphore(%run_scoped3A : memref<!tpu.dma_semaphore, #tpu.memory_space<semaphore_mem>>)
        %dma_wait3A_196 = arith.constant 625 : i32
        %dma_wait3A_197 = arith.constant 0 : i32
        %dma_wait3A_198 = tpu.memref_slice %arg7[%dma_wait3A_196, %dma_wait3A_197] : memref<1000x64xf32, #tpu.memory_space<vmem_shared>> -> memref<125x64xf32, #tpu.memory_space<vmem_shared>>
        %dma_wait3A_199 = arith.constant 625 : i32
        %dma_wait3A_200 = arith.constant 0 : i32
        %dma_wait3A_201 = tpu.memref_slice %arg2[%dma_wait3A_199, %dma_wait3A_200] : memref<1000x64xf32, #tpu.memory_space<hbm>> -> memref<125x64xf32, #tpu.memory_space<hbm>>
        tpu.wait_dma2 semaphore(%run_scoped3A : memref<!tpu.dma_semaphore, #tpu.memory_space<semaphore_mem>>) src(%dma_wait3A_201 : memref<125x64xf32, #tpu.memory_space<hbm>>) dst(%dma_wait3A_198 : memref<125x64xf32, #tpu.memory_space<vmem_shared>>)
        tpu.yield
      }) : () -> ()
    } else {
    }
    %eq3A_30 = arith.constant 6 : i32
    %eq3A_31 = arith.cmpi eq, %arg1, %eq3A_30 : i32
    %convert_element_type3A_32 = arith.extui %eq3A_31 : i1 to i32
    %cond3A_33 = arith.constant 0 : i32
    %cond3A_34 = arith.cmpi ne, %convert_element_type3A_32, %cond3A_33 : i32
    scf.if %cond3A_34 {
      "tpu.region"() ({
        %run_scoped3A = tpu.sem_alloc : memref<!tpu.dma_semaphore, #tpu.memory_space<semaphore_mem>>
        %dma_start3A_190 = arith.constant 750 : i32
        %dma_start3A_191 = arith.constant 0 : i32
        %dma_start3A_192 = tpu.memref_slice %arg7[%dma_start3A_190, %dma_start3A_191] : memref<1000x64xf32, #tpu.memory_space<vmem_shared>> -> memref<125x64xf32, #tpu.memory_space<vmem_shared>>
        %dma_start3A_193 = arith.constant 750 : i32
        %dma_start3A_194 = arith.constant 0 : i32
        %dma_start3A_195 = tpu.memref_slice %arg2[%dma_start3A_193, %dma_start3A_194] : memref<1000x64xf32, #tpu.memory_space<hbm>> -> memref<125x64xf32, #tpu.memory_space<hbm>>
        tpu.enqueue_dma source(%dma_start3A_195 : memref<125x64xf32, #tpu.memory_space<hbm>>) target(%dma_start3A_192 : memref<125x64xf32, #tpu.memory_space<vmem_shared>>) target_semaphore(%run_scoped3A : memref<!tpu.dma_semaphore, #tpu.memory_space<semaphore_mem>>)
        %dma_wait3A_196 = arith.constant 750 : i32
        %dma_wait3A_197 = arith.constant 0 : i32
        %dma_wait3A_198 = tpu.memref_slice %arg7[%dma_wait3A_196, %dma_wait3A_197] : memref<1000x64xf32, #tpu.memory_space<vmem_shared>> -> memref<125x64xf32, #tpu.memory_space<vmem_shared>>
        %dma_wait3A_199 = arith.constant 750 : i32
        %dma_wait3A_200 = arith.constant 0 : i32
        %dma_wait3A_201 = tpu.memref_slice %arg2[%dma_wait3A_199, %dma_wait3A_200] : memref<1000x64xf32, #tpu.memory_space<hbm>> -> memref<125x64xf32, #tpu.memory_space<hbm>>
        tpu.wait_dma2 semaphore(%run_scoped3A : memref<!tpu.dma_semaphore, #tpu.memory_space<semaphore_mem>>) src(%dma_wait3A_201 : memref<125x64xf32, #tpu.memory_space<hbm>>) dst(%dma_wait3A_198 : memref<125x64xf32, #tpu.memory_space<vmem_shared>>)
        tpu.yield
      }) : () -> ()
    } else {
    }
    %eq3A_35 = arith.constant 7 : i32
    %eq3A_36 = arith.cmpi eq, %arg1, %eq3A_35 : i32
    %convert_element_type3A_37 = arith.extui %eq3A_36 : i1 to i32
    %cond3A_38 = arith.constant 0 : i32
    %cond3A_39 = arith.cmpi ne, %convert_element_type3A_37, %cond3A_38 : i32
    scf.if %cond3A_39 {
      "tpu.region"() ({
        %run_scoped3A = tpu.sem_alloc : memref<!tpu.dma_semaphore, #tpu.memory_space<semaphore_mem>>
        %dma_start3A_190 = arith.constant 875 : i32
        %dma_start3A_191 = arith.constant 0 : i32
        %dma_start3A_192 = tpu.memref_slice %arg7[%dma_start3A_190, %dma_start3A_191] : memref<1000x64xf32, #tpu.memory_space<vmem_shared>> -> memref<125x64xf32, #tpu.memory_space<vmem_shared>>
        %dma_start3A_193 = arith.constant 875 : i32
        %dma_start3A_194 = arith.constant 0 : i32
        %dma_start3A_195 = tpu.memref_slice %arg2[%dma_start3A_193, %dma_start3A_194] : memref<1000x64xf32, #tpu.memory_space<hbm>> -> memref<125x64xf32, #tpu.memory_space<hbm>>
        tpu.enqueue_dma source(%dma_start3A_195 : memref<125x64xf32, #tpu.memory_space<hbm>>) target(%dma_start3A_192 : memref<125x64xf32, #tpu.memory_space<vmem_shared>>) target_semaphore(%run_scoped3A : memref<!tpu.dma_semaphore, #tpu.memory_space<semaphore_mem>>)
        %dma_wait3A_196 = arith.constant 875 : i32
        %dma_wait3A_197 = arith.constant 0 : i32
        %dma_wait3A_198 = tpu.memref_slice %arg7[%dma_wait3A_196, %dma_wait3A_197] : memref<1000x64xf32, #tpu.memory_space<vmem_shared>> -> memref<125x64xf32, #tpu.memory_space<vmem_shared>>
        %dma_wait3A_199 = arith.constant 875 : i32
        %dma_wait3A_200 = arith.constant 0 : i32
        %dma_wait3A_201 = tpu.memref_slice %arg2[%dma_wait3A_199, %dma_wait3A_200] : memref<1000x64xf32, #tpu.memory_space<hbm>> -> memref<125x64xf32, #tpu.memory_space<hbm>>
        tpu.wait_dma2 semaphore(%run_scoped3A : memref<!tpu.dma_semaphore, #tpu.memory_space<semaphore_mem>>) src(%dma_wait3A_201 : memref<125x64xf32, #tpu.memory_space<hbm>>) dst(%dma_wait3A_198 : memref<125x64xf32, #tpu.memory_space<vmem_shared>>)
        tpu.yield
      }) : () -> ()
    } else {
    }
    "tpu.region"() ({
      %run_scoped3A = tpu.sem_alloc : memref<!tpu.dma_semaphore, #tpu.memory_space<semaphore_mem>>
      %dma_start3A_190 = tpu.memref_slice %arg3[%mul3A_2] : memref<16384xi32, #tpu.memory_space<hbm>> -> memref<512xi32, #tpu.memory_space<hbm>>
      %dma_start3A_191 = tpu.memref_slice %arg3[%mul3A_2] : memref<16384xi32, #tpu.memory_space<hbm>> -> memref<512xi32, #tpu.memory_space<hbm>>
      tpu.enqueue_dma source(%dma_start3A_191 : memref<512xi32, #tpu.memory_space<hbm>>) target(%arg5 : memref<512xi32, #tpu.memory_space<vmem>>) target_semaphore(%run_scoped3A : memref<!tpu.dma_semaphore, #tpu.memory_space<semaphore_mem>>)
      %dma_wait3A_192 = tpu.memref_slice %arg3[%mul3A_2] : memref<16384xi32, #tpu.memory_space<hbm>> -> memref<512xi32, #tpu.memory_space<hbm>>
      %dma_wait3A_193 = tpu.memref_slice %arg3[%mul3A_2] : memref<16384xi32, #tpu.memory_space<hbm>> -> memref<512xi32, #tpu.memory_space<hbm>>
      tpu.wait_dma2 semaphore(%run_scoped3A : memref<!tpu.dma_semaphore, #tpu.memory_space<semaphore_mem>>) src(%dma_wait3A_193 : memref<512xi32, #tpu.memory_space<hbm>>) dst(%arg5 : memref<512xi32, #tpu.memory_space<vmem>>)
      tpu.yield
    }) : () -> ()
    %barrier3A = arith.constant 0 : index
    tpu.barrier barrier_id(%barrier3A)
    %dma_start3A = arith.constant 0 : i32
    %dma_start3A_40 = arith.constant 0 : i32
    %dma_start3A_41 = tpu.memref_slice %arg6[%dma_start3A, %dma_start3A_40] : memref<512x64xf32, #tpu.memory_space<vmem>> -> memref<128x64xf32, #tpu.memory_space<vmem>>
    %dma_start3A_42 = arith.constant 0 : i32
    %dma_start3A_43 = tpu.memref_slice %arg5[%dma_start3A_42] : memref<512xi32, #tpu.memory_space<vmem>> -> memref<128xi32, #tpu.memory_space<vmem>>
    %dma_start3A_44 = arith.constant 0 : i32
    %dma_start3A_45 = arith.constant 0 : i32
    %dma_start3A_46 = tpu.memref_slice %arg7[%dma_start3A_44, %dma_start3A_45] : memref<1000x64xf32, #tpu.memory_space<vmem_shared>> -> memref<1000x64xf32, #tpu.memory_space<vmem_shared>>
    tpu.enqueue_indirect_dma source(%dma_start3A_46 : memref<1000x64xf32, #tpu.memory_space<vmem_shared>>) target(%dma_start3A_41 : memref<128x64xf32, #tpu.memory_space<vmem>>) offsets(%dma_start3A_43 : memref<128xi32, #tpu.memory_space<vmem>>) semaphore(%arg8 : memref<!tpu.dma_semaphore, #tpu.memory_space<semaphore_mem>>)
    %dma_start3A_47 = arith.constant 128 : i32
    %dma_start3A_48 = arith.constant 0 : i32
    %dma_start3A_49 = tpu.memref_slice %arg6[%dma_start3A_47, %dma_start3A_48] : memref<512x64xf32, #tpu.memory_space<vmem>> -> memref<128x64xf32, #tpu.memory_space<vmem>>
    %dma_start3A_50 = arith.constant 128 : i32
    %dma_start3A_51 = tpu.memref_slice %arg5[%dma_start3A_50] : memref<512xi32, #tpu.memory_space<vmem>> -> memref<128xi32, #tpu.memory_space<vmem>>
    %dma_start3A_52 = arith.constant 0 : i32
    %dma_start3A_53 = arith.constant 0 : i32
    %dma_start3A_54 = tpu.memref_slice %arg7[%dma_start3A_52, %dma_start3A_53] : memref<1000x64xf32, #tpu.memory_space<vmem_shared>> -> memref<1000x64xf32, #tpu.memory_space<vmem_shared>>
    tpu.enqueue_indirect_dma source(%dma_start3A_54 : memref<1000x64xf32, #tpu.memory_space<vmem_shared>>) target(%dma_start3A_49 : memref<128x64xf32, #tpu.memory_space<vmem>>) offsets(%dma_start3A_51 : memref<128xi32, #tpu.memory_space<vmem>>) semaphore(%arg8 : memref<!tpu.dma_semaphore, #tpu.memory_space<semaphore_mem>>)
    %dma_start3A_55 = arith.constant 256 : i32
    %dma_start3A_56 = arith.constant 0 : i32
    %dma_start3A_57 = tpu.memref_slice %arg6[%dma_start3A_55, %dma_start3A_56] : memref<512x64xf32, #tpu.memory_space<vmem>> -> memref<128x64xf32, #tpu.memory_space<vmem>>
    %dma_start3A_58 = arith.constant 256 : i32
    %dma_start3A_59 = tpu.memref_slice %arg5[%dma_start3A_58] : memref<512xi32, #tpu.memory_space<vmem>> -> memref<128xi32, #tpu.memory_space<vmem>>
    %dma_start3A_60 = arith.constant 0 : i32
    %dma_start3A_61 = arith.constant 0 : i32
    %dma_start3A_62 = tpu.memref_slice %arg7[%dma_start3A_60, %dma_start3A_61] : memref<1000x64xf32, #tpu.memory_space<vmem_shared>> -> memref<1000x64xf32, #tpu.memory_space<vmem_shared>>
    tpu.enqueue_indirect_dma source(%dma_start3A_62 : memref<1000x64xf32, #tpu.memory_space<vmem_shared>>) target(%dma_start3A_57 : memref<128x64xf32, #tpu.memory_space<vmem>>) offsets(%dma_start3A_59 : memref<128xi32, #tpu.memory_space<vmem>>) semaphore(%arg8 : memref<!tpu.dma_semaphore, #tpu.memory_space<semaphore_mem>>)
    %dma_start3A_63 = arith.constant 384 : i32
    %dma_start3A_64 = arith.constant 0 : i32
    %dma_start3A_65 = tpu.memref_slice %arg6[%dma_start3A_63, %dma_start3A_64] : memref<512x64xf32, #tpu.memory_space<vmem>> -> memref<128x64xf32, #tpu.memory_space<vmem>>
    %dma_start3A_66 = arith.constant 384 : i32
    %dma_start3A_67 = tpu.memref_slice %arg5[%dma_start3A_66] : memref<512xi32, #tpu.memory_space<vmem>> -> memref<128xi32, #tpu.memory_space<vmem>>
    %dma_start3A_68 = arith.constant 0 : i32
    %dma_start3A_69 = arith.constant 0 : i32
    %dma_start3A_70 = tpu.memref_slice %arg7[%dma_start3A_68, %dma_start3A_69] : memref<1000x64xf32, #tpu.memory_space<vmem_shared>> -> memref<1000x64xf32, #tpu.memory_space<vmem_shared>>
    tpu.enqueue_indirect_dma source(%dma_start3A_70 : memref<1000x64xf32, #tpu.memory_space<vmem_shared>>) target(%dma_start3A_65 : memref<128x64xf32, #tpu.memory_space<vmem>>) offsets(%dma_start3A_67 : memref<128xi32, #tpu.memory_space<vmem>>) semaphore(%arg8 : memref<!tpu.dma_semaphore, #tpu.memory_space<semaphore_mem>>)
    %dma_wait3A = arith.constant 0 : i32
    %dma_wait3A_71 = arith.constant 0 : i32
    %dma_wait3A_72 = tpu.memref_slice %arg6[%dma_wait3A, %dma_wait3A_71] : memref<512x64xf32, #tpu.memory_space<vmem>> -> memref<128x64xf32, #tpu.memory_space<vmem>>
    %dma_wait3A_73 = arith.constant 0 : i32
    %dma_wait3A_74 = tpu.memref_slice %arg5[%dma_wait3A_73] : memref<512xi32, #tpu.memory_space<vmem>> -> memref<128xi32, #tpu.memory_space<vmem>>
    %dma_wait3A_75 = arith.constant 0 : i32
    %dma_wait3A_76 = arith.constant 0 : i32
    %dma_wait3A_77 = tpu.memref_slice %arg7[%dma_wait3A_75, %dma_wait3A_76] : memref<1000x64xf32, #tpu.memory_space<vmem_shared>> -> memref<1000x64xf32, #tpu.memory_space<vmem_shared>>
    tpu.wait_indirect_dma semaphore(%arg8 : memref<!tpu.dma_semaphore, #tpu.memory_space<semaphore_mem>>) src(%dma_wait3A_77 : memref<1000x64xf32, #tpu.memory_space<vmem_shared>>) dst(%dma_wait3A_72 : memref<128x64xf32, #tpu.memory_space<vmem>>)
    %add3A_78 = arith.constant 0 : i32
    %add3A_79 = arith.addi %mul3A_2, %add3A_78 : i32
    %dma_start3A_80 = arith.constant 0 : i32
    %dma_start3A_81 = arith.constant 0 : i32
    %dma_start3A_82 = tpu.memref_slice %arg6[%dma_start3A_80, %dma_start3A_81] : memref<512x64xf32, #tpu.memory_space<vmem>> -> memref<128x64xf32, #tpu.memory_space<vmem>>
    %dma_start3A_83 = arith.constant 0 : i32
    %dma_start3A_84 = tpu.memref_slice %arg4[%add3A_79, %dma_start3A_83] : memref<16384x64xf32, #tpu.memory_space<hbm>> -> memref<128x64xf32, #tpu.memory_space<hbm>>
    %dma_start3A_85 = arith.constant 0 : i32
    %dma_start3A_86 = tpu.memref_slice %arg4[%add3A_79, %dma_start3A_85] : memref<16384x64xf32, #tpu.memory_space<hbm>> -> memref<128x64xf32, #tpu.memory_space<hbm>>
    %dma_start3A_87 = arith.constant 0 : i32
    %dma_start3A_88 = arith.constant 0 : i32
    %dma_start3A_89 = tpu.memref_slice %arg6[%dma_start3A_87, %dma_start3A_88] : memref<512x64xf32, #tpu.memory_space<vmem>> -> memref<128x64xf32, #tpu.memory_space<vmem>>
    tpu.enqueue_dma source(%dma_start3A_89 : memref<128x64xf32, #tpu.memory_space<vmem>>) target(%dma_start3A_86 : memref<128x64xf32, #tpu.memory_space<hbm>>) target_semaphore(%arg9 : memref<!tpu.dma_semaphore, #tpu.memory_space<semaphore_mem>>)
    %dma_wait3A_90 = arith.constant 128 : i32
    %dma_wait3A_91 = arith.constant 0 : i32
    %dma_wait3A_92 = tpu.memref_slice %arg6[%dma_wait3A_90, %dma_wait3A_91] : memref<512x64xf32, #tpu.memory_space<vmem>> -> memref<128x64xf32, #tpu.memory_space<vmem>>
    %dma_wait3A_93 = arith.constant 128 : i32
    %dma_wait3A_94 = tpu.memref_slice %arg5[%dma_wait3A_93] : memref<512xi32, #tpu.memory_space<vmem>> -> memref<128xi32, #tpu.memory_space<vmem>>
    %dma_wait3A_95 = arith.constant 0 : i32
    %dma_wait3A_96 = arith.constant 0 : i32
    %dma_wait3A_97 = tpu.memref_slice %arg7[%dma_wait3A_95, %dma_wait3A_96] : memref<1000x64xf32, #tpu.memory_space<vmem_shared>> -> memref<1000x64xf32, #tpu.memory_space<vmem_shared>>
    tpu.wait_indirect_dma semaphore(%arg8 : memref<!tpu.dma_semaphore, #tpu.memory_space<semaphore_mem>>) src(%dma_wait3A_97 : memref<1000x64xf32, #tpu.memory_space<vmem_shared>>) dst(%dma_wait3A_92 : memref<128x64xf32, #tpu.memory_space<vmem>>)
    %add3A_98 = arith.constant 128 : i32
    %add3A_99 = arith.addi %mul3A_2, %add3A_98 : i32
    %dma_start3A_100 = arith.constant 128 : i32
    %dma_start3A_101 = arith.constant 0 : i32
    %dma_start3A_102 = tpu.memref_slice %arg6[%dma_start3A_100, %dma_start3A_101] : memref<512x64xf32, #tpu.memory_space<vmem>> -> memref<128x64xf32, #tpu.memory_space<vmem>>
    %dma_start3A_103 = arith.constant 0 : i32
    %dma_start3A_104 = tpu.memref_slice %arg4[%add3A_99, %dma_start3A_103] : memref<16384x64xf32, #tpu.memory_space<hbm>> -> memref<128x64xf32, #tpu.memory_space<hbm>>
    %dma_start3A_105 = arith.constant 0 : i32
    %dma_start3A_106 = tpu.memref_slice %arg4[%add3A_99, %dma_start3A_105] : memref<16384x64xf32, #tpu.memory_space<hbm>> -> memref<128x64xf32, #tpu.memory_space<hbm>>
    %dma_start3A_107 = arith.constant 128 : i32
    %dma_start3A_108 = arith.constant 0 : i32
    %dma_start3A_109 = tpu.memref_slice %arg6[%dma_start3A_107, %dma_start3A_108] : memref<512x64xf32, #tpu.memory_space<vmem>> -> memref<128x64xf32, #tpu.memory_space<vmem>>
    tpu.enqueue_dma source(%dma_start3A_109 : memref<128x64xf32, #tpu.memory_space<vmem>>) target(%dma_start3A_106 : memref<128x64xf32, #tpu.memory_space<hbm>>) target_semaphore(%arg9 : memref<!tpu.dma_semaphore, #tpu.memory_space<semaphore_mem>>)
    %dma_wait3A_110 = arith.constant 256 : i32
    %dma_wait3A_111 = arith.constant 0 : i32
    %dma_wait3A_112 = tpu.memref_slice %arg6[%dma_wait3A_110, %dma_wait3A_111] : memref<512x64xf32, #tpu.memory_space<vmem>> -> memref<128x64xf32, #tpu.memory_space<vmem>>
    %dma_wait3A_113 = arith.constant 256 : i32
    %dma_wait3A_114 = tpu.memref_slice %arg5[%dma_wait3A_113] : memref<512xi32, #tpu.memory_space<vmem>> -> memref<128xi32, #tpu.memory_space<vmem>>
    %dma_wait3A_115 = arith.constant 0 : i32
    %dma_wait3A_116 = arith.constant 0 : i32
    %dma_wait3A_117 = tpu.memref_slice %arg7[%dma_wait3A_115, %dma_wait3A_116] : memref<1000x64xf32, #tpu.memory_space<vmem_shared>> -> memref<1000x64xf32, #tpu.memory_space<vmem_shared>>
    tpu.wait_indirect_dma semaphore(%arg8 : memref<!tpu.dma_semaphore, #tpu.memory_space<semaphore_mem>>) src(%dma_wait3A_117 : memref<1000x64xf32, #tpu.memory_space<vmem_shared>>) dst(%dma_wait3A_112 : memref<128x64xf32, #tpu.memory_space<vmem>>)
    %add3A_118 = arith.constant 256 : i32
    %add3A_119 = arith.addi %mul3A_2, %add3A_118 : i32
    %dma_start3A_120 = arith.constant 256 : i32
    %dma_start3A_121 = arith.constant 0 : i32
    %dma_start3A_122 = tpu.memref_slice %arg6[%dma_start3A_120, %dma_start3A_121] : memref<512x64xf32, #tpu.memory_space<vmem>> -> memref<128x64xf32, #tpu.memory_space<vmem>>
    %dma_start3A_123 = arith.constant 0 : i32
    %dma_start3A_124 = tpu.memref_slice %arg4[%add3A_119, %dma_start3A_123] : memref<16384x64xf32, #tpu.memory_space<hbm>> -> memref<128x64xf32, #tpu.memory_space<hbm>>
    %dma_start3A_125 = arith.constant 0 : i32
    %dma_start3A_126 = tpu.memref_slice %arg4[%add3A_119, %dma_start3A_125] : memref<16384x64xf32, #tpu.memory_space<hbm>> -> memref<128x64xf32, #tpu.memory_space<hbm>>
    %dma_start3A_127 = arith.constant 256 : i32
    %dma_start3A_128 = arith.constant 0 : i32
    %dma_start3A_129 = tpu.memref_slice %arg6[%dma_start3A_127, %dma_start3A_128] : memref<512x64xf32, #tpu.memory_space<vmem>> -> memref<128x64xf32, #tpu.memory_space<vmem>>
    tpu.enqueue_dma source(%dma_start3A_129 : memref<128x64xf32, #tpu.memory_space<vmem>>) target(%dma_start3A_126 : memref<128x64xf32, #tpu.memory_space<hbm>>) target_semaphore(%arg9 : memref<!tpu.dma_semaphore, #tpu.memory_space<semaphore_mem>>)
    %dma_wait3A_130 = arith.constant 384 : i32
    %dma_wait3A_131 = arith.constant 0 : i32
    %dma_wait3A_132 = tpu.memref_slice %arg6[%dma_wait3A_130, %dma_wait3A_131] : memref<512x64xf32, #tpu.memory_space<vmem>> -> memref<128x64xf32, #tpu.memory_space<vmem>>
    %dma_wait3A_133 = arith.constant 384 : i32
    %dma_wait3A_134 = tpu.memref_slice %arg5[%dma_wait3A_133] : memref<512xi32, #tpu.memory_space<vmem>> -> memref<128xi32, #tpu.memory_space<vmem>>
    %dma_wait3A_135 = arith.constant 0 : i32
    %dma_wait3A_136 = arith.constant 0 : i32
    %dma_wait3A_137 = tpu.memref_slice %arg7[%dma_wait3A_135, %dma_wait3A_136] : memref<1000x64xf32, #tpu.memory_space<vmem_shared>> -> memref<1000x64xf32, #tpu.memory_space<vmem_shared>>
    tpu.wait_indirect_dma semaphore(%arg8 : memref<!tpu.dma_semaphore, #tpu.memory_space<semaphore_mem>>) src(%dma_wait3A_137 : memref<1000x64xf32, #tpu.memory_space<vmem_shared>>) dst(%dma_wait3A_132 : memref<128x64xf32, #tpu.memory_space<vmem>>)
    %add3A_138 = arith.constant 384 : i32
    %add3A_139 = arith.addi %mul3A_2, %add3A_138 : i32
    %dma_start3A_140 = arith.constant 384 : i32
    %dma_start3A_141 = arith.constant 0 : i32
    %dma_start3A_142 = tpu.memref_slice %arg6[%dma_start3A_140, %dma_start3A_141] : memref<512x64xf32, #tpu.memory_space<vmem>> -> memref<128x64xf32, #tpu.memory_space<vmem>>
    %dma_start3A_143 = arith.constant 0 : i32
    %dma_start3A_144 = tpu.memref_slice %arg4[%add3A_139, %dma_start3A_143] : memref<16384x64xf32, #tpu.memory_space<hbm>> -> memref<128x64xf32, #tpu.memory_space<hbm>>
    %dma_start3A_145 = arith.constant 0 : i32
    %dma_start3A_146 = tpu.memref_slice %arg4[%add3A_139, %dma_start3A_145] : memref<16384x64xf32, #tpu.memory_space<hbm>> -> memref<128x64xf32, #tpu.memory_space<hbm>>
    %dma_start3A_147 = arith.constant 384 : i32
    %dma_start3A_148 = arith.constant 0 : i32
    %dma_start3A_149 = tpu.memref_slice %arg6[%dma_start3A_147, %dma_start3A_148] : memref<512x64xf32, #tpu.memory_space<vmem>> -> memref<128x64xf32, #tpu.memory_space<vmem>>
    tpu.enqueue_dma source(%dma_start3A_149 : memref<128x64xf32, #tpu.memory_space<vmem>>) target(%dma_start3A_146 : memref<128x64xf32, #tpu.memory_space<hbm>>) target_semaphore(%arg9 : memref<!tpu.dma_semaphore, #tpu.memory_space<semaphore_mem>>)
    %dma_wait3A_150 = arith.constant 0 : i32
    %dma_wait3A_151 = arith.constant 0 : i32
    %dma_wait3A_152 = tpu.memref_slice %arg6[%dma_wait3A_150, %dma_wait3A_151] : memref<512x64xf32, #tpu.memory_space<vmem>> -> memref<128x64xf32, #tpu.memory_space<vmem>>
    %dma_wait3A_153 = arith.constant 0 : i32
    %dma_wait3A_154 = tpu.memref_slice %arg4[%add3A_79, %dma_wait3A_153] : memref<16384x64xf32, #tpu.memory_space<hbm>> -> memref<128x64xf32, #tpu.memory_space<hbm>>
    %dma_wait3A_155 = arith.constant 0 : i32
    %dma_wait3A_156 = tpu.memref_slice %arg4[%add3A_79, %dma_wait3A_155] : memref<16384x64xf32, #tpu.memory_space<hbm>> -> memref<128x64xf32, #tpu.memory_space<hbm>>
    %dma_wait3A_157 = arith.constant 0 : i32
    %dma_wait3A_158 = arith.constant 0 : i32
    %dma_wait3A_159 = tpu.memref_slice %arg6[%dma_wait3A_157, %dma_wait3A_158] : memref<512x64xf32, #tpu.memory_space<vmem>> -> memref<128x64xf32, #tpu.memory_space<vmem>>
    tpu.wait_dma2 semaphore(%arg9 : memref<!tpu.dma_semaphore, #tpu.memory_space<semaphore_mem>>) src(%dma_wait3A_159 : memref<128x64xf32, #tpu.memory_space<vmem>>) dst(%dma_wait3A_156 : memref<128x64xf32, #tpu.memory_space<hbm>>)
    %dma_wait3A_160 = arith.constant 128 : i32
    %dma_wait3A_161 = arith.constant 0 : i32
    %dma_wait3A_162 = tpu.memref_slice %arg6[%dma_wait3A_160, %dma_wait3A_161] : memref<512x64xf32, #tpu.memory_space<vmem>> -> memref<128x64xf32, #tpu.memory_space<vmem>>
    %dma_wait3A_163 = arith.constant 0 : i32
    %dma_wait3A_164 = tpu.memref_slice %arg4[%add3A_99, %dma_wait3A_163] : memref<16384x64xf32, #tpu.memory_space<hbm>> -> memref<128x64xf32, #tpu.memory_space<hbm>>
    %dma_wait3A_165 = arith.constant 0 : i32
    %dma_wait3A_166 = tpu.memref_slice %arg4[%add3A_99, %dma_wait3A_165] : memref<16384x64xf32, #tpu.memory_space<hbm>> -> memref<128x64xf32, #tpu.memory_space<hbm>>
    %dma_wait3A_167 = arith.constant 128 : i32
    %dma_wait3A_168 = arith.constant 0 : i32
    %dma_wait3A_169 = tpu.memref_slice %arg6[%dma_wait3A_167, %dma_wait3A_168] : memref<512x64xf32, #tpu.memory_space<vmem>> -> memref<128x64xf32, #tpu.memory_space<vmem>>
    tpu.wait_dma2 semaphore(%arg9 : memref<!tpu.dma_semaphore, #tpu.memory_space<semaphore_mem>>) src(%dma_wait3A_169 : memref<128x64xf32, #tpu.memory_space<vmem>>) dst(%dma_wait3A_166 : memref<128x64xf32, #tpu.memory_space<hbm>>)
    %dma_wait3A_170 = arith.constant 256 : i32
    %dma_wait3A_171 = arith.constant 0 : i32
    %dma_wait3A_172 = tpu.memref_slice %arg6[%dma_wait3A_170, %dma_wait3A_171] : memref<512x64xf32, #tpu.memory_space<vmem>> -> memref<128x64xf32, #tpu.memory_space<vmem>>
    %dma_wait3A_173 = arith.constant 0 : i32
    %dma_wait3A_174 = tpu.memref_slice %arg4[%add3A_119, %dma_wait3A_173] : memref<16384x64xf32, #tpu.memory_space<hbm>> -> memref<128x64xf32, #tpu.memory_space<hbm>>
    %dma_wait3A_175 = arith.constant 0 : i32
    %dma_wait3A_176 = tpu.memref_slice %arg4[%add3A_119, %dma_wait3A_175] : memref<16384x64xf32, #tpu.memory_space<hbm>> -> memref<128x64xf32, #tpu.memory_space<hbm>>
    %dma_wait3A_177 = arith.constant 256 : i32
    %dma_wait3A_178 = arith.constant 0 : i32
    %dma_wait3A_179 = tpu.memref_slice %arg6[%dma_wait3A_177, %dma_wait3A_178] : memref<512x64xf32, #tpu.memory_space<vmem>> -> memref<128x64xf32, #tpu.memory_space<vmem>>
    tpu.wait_dma2 semaphore(%arg9 : memref<!tpu.dma_semaphore, #tpu.memory_space<semaphore_mem>>) src(%dma_wait3A_179 : memref<128x64xf32, #tpu.memory_space<vmem>>) dst(%dma_wait3A_176 : memref<128x64xf32, #tpu.memory_space<hbm>>)
    %dma_wait3A_180 = arith.constant 384 : i32
    %dma_wait3A_181 = arith.constant 0 : i32
    %dma_wait3A_182 = tpu.memref_slice %arg6[%dma_wait3A_180, %dma_wait3A_181] : memref<512x64xf32, #tpu.memory_space<vmem>> -> memref<128x64xf32, #tpu.memory_space<vmem>>
    %dma_wait3A_183 = arith.constant 0 : i32
    %dma_wait3A_184 = tpu.memref_slice %arg4[%add3A_139, %dma_wait3A_183] : memref<16384x64xf32, #tpu.memory_space<hbm>> -> memref<128x64xf32, #tpu.memory_space<hbm>>
    %dma_wait3A_185 = arith.constant 0 : i32
    %dma_wait3A_186 = tpu.memref_slice %arg4[%add3A_139, %dma_wait3A_185] : memref<16384x64xf32, #tpu.memory_space<hbm>> -> memref<128x64xf32, #tpu.memory_space<hbm>>
    %dma_wait3A_187 = arith.constant 384 : i32
    %dma_wait3A_188 = arith.constant 0 : i32
    %dma_wait3A_189 = tpu.memref_slice %arg6[%dma_wait3A_187, %dma_wait3A_188] : memref<512x64xf32, #tpu.memory_space<vmem>> -> memref<128x64xf32, #tpu.memory_space<vmem>>
    tpu.wait_dma2 semaphore(%arg9 : memref<!tpu.dma_semaphore, #tpu.memory_space<semaphore_mem>>) src(%dma_wait3A_189 : memref<128x64xf32, #tpu.memory_space<vmem>>) dst(%dma_wait3A_186 : memref<128x64xf32, #tpu.memory_space<hbm>>)
    return
  }
}

</mosaic_0001>

<sc_bundles>
// kernel: kernel.3.cloned.1.call-start
scs
__scs_entry_jumppad:
0x0: {  	(pc) =	sbr.rel $0x88, $3  }
0x1: {  	(tag) =	ssettag $0x0;
	lr =	simm.s32 $0x1  }
0x2: {  	[smem:$0x3F9F] =	sst lr;
	_ =	strace $0xD0000000  }
0x3: {  	_ = 	snop  }
0x4: {  	_ = 	snop  }
0x5: {  	_ = 	snop  }
0x6: {  	_ = 	snop  }
0x7: {  	_ = 	snop  }
__scs_overlays_trampoline_lowered:
0x8: {  	[smem:$0x3FAE] =	sst s0  }
0x9: {  	[smem:$0x3FAF] =	sst s1  }
0xa: {  	[smem:$0x3FB0] =	sst s2  }
0xb: {  	[smem:$0x3FB1] =	sst s3  }
0xc: {  	[smem:$0x3FB2] =	sst s4  }
0xd: {  	[smem:$0x3FB3] =	sst s5  }
0xe: {  	[smem:$0x3FB4] =	sst s6  }
0xf: {  	[smem:$0x3FB5] =	sst s7  }
0x10: {  	[smem:$0x3FB6] =	sst s8  }
0x11: {  	[smem:$0x3FB7] =	sst s9;
	s0 =	simm.s32 @!p0 $0x0  }
0x12: {  	s1 =	sld [smem:$0x3F9D];
	s0 =	simm.s32 @p0 $0x1  }
0x13: {  	[smem:$0x3FB8] =	sst s0;
	s0 =	simm.s32 @!p1 $0x0  }
0x14: {  	s2 =	sld [smem:$0x3F9C];
	s0 =	simm.s32 @p1 $0x1  }
0x15: {  	[smem:$0x3FB9] =	sst s0;
	s0 =	simm.s32 @!p2 $0x0  }
0x16: {  	s3 =	sld [smem:$0x3FDB];
	s0 =	simm.s32 @p2 $0x1  }
0x17: {  	s4 =	simm.s32 $0x1BF5;
	[smem:$0x3FBB] =	sst s0  }
0x18: {  	s0 =	sld [smem:$0x3F9E];
	_ =	swait.ge [sflag:s4], $0x0  }
0x19: {  	s7 =	sld [smem:$0x3F9F]  }
0x1a: {  	s8 =	sadd.s32 $0xFFFFE003, lr  }
0x1b: {  	s9 =	sadd.s32 $0xFFFFFEF7, lr;
	s5 =	simm.s32 $0xFFFFFFFF;
	p2 =	slt.u32 s8, $0xFFFFF086  }
0x1c: {  	p1 =	slt.u32 s9, $0xF7A;
	s5 =	simm.s32 @!p2 $0x0  }
0x1d: {  	s5 =	simm.s32 @p1 $0x1;
	p0 =	seq.s32 s7, s2  }
0x1e: {  	s7 =	smul.u32 @!p0 $0xF7A, s2;
	p2 =	seq.s32 @!p0 s5, $0x0  }
0x1f: {  	s9 =	smul.u32 $0xF7A, s1;
	s8 =	simm.s32 @!p0 $0x1BF5;
	p2 =	por !p2, p0  }
0x20: {  	[sflag:s8] =	ssyncset.s32 @!p0 $0xFFFFF086;
	s6 =	sadd.s32 @!p0 s3, s7;
	s7 =	simm.s32 @!p0 $0x108  }
0x21: {  	s3 =	sadd.s32 s3, s9;
	s6 =	sadd.s32 @!p0 $0x88, s6;
	s7 =	simm.s32 @p2 $0x1082  }
0x22: {  	[simem:s7], [sflag:s8] =	dma.local @!p0 [hbm:s6], $0xF7A  }
0x23: {  	s9 =	sor.u32 $0xD0000000, s2;
	s6 =	simm.s32 $0x108;
	_ =	swait.ge @!p0 [sflag:s8], $0x0  }
0x24: {  	s3 =	sadd.s32 $0x88, s3;
	s6 =	simm.s32 @!p1 $0x1082;
	[sflag:s4] =	ssyncset.s32 $0xFFFFF086  }
0x25: {  	[simem:s6], [sflag:s4] =	dma.local [hbm:s3], $0xF7A  }
0x26: {  	[smem:$0x3F9F] =	sst s1;
	(tag) =	ssettag s2;
	_ =	strace s9  }
0x27: {  	s1 =	sld [smem:$0x3FAF]  }
0x28: {  	s2 =	sld [smem:$0x3FB0]  }
0x29: {  	s4 =	sld [smem:$0x3FB2]  }
0x2a: {  	p0 =	seq.s32 s5, $0x0;
	s5 =	sld [smem:$0x3FB3]  }
0x2b: {  	s6 =	sld [smem:$0x3FB4]  }
0x2c: {  	s7 =	sld [smem:$0x3FB5]  }
0x2d: {  	s3 =	simm.s32 $0x108;
	s8 =	sld [smem:$0x3FB6]  }
0x2e: {  	s3 =	simm.s32 @!p0 $0x1082;
	s9 =	sld [smem:$0x3FB7]  }
0x2f: {  	lr =	sadd.s32 s0, s3;
	s0 =	sld [smem:$0x3FAE]  }
0x30: {  	s3 =	sld [smem:$0x3FB1]  }
0x31: {  	[smem:$0x3FBA] =	sst s10  }
0x32: {  	s10 =	sld [smem:$0x3FB8];
	_ =	sdelay $0x3  }
0x33: {  	p0 =	seq.s32 s10, $0x1;
	s10 =	sld [smem:$0x3FBA];
	_ =	sdelay $0x3  }
0x34: {  	[smem:$0x3FBA] =	sst s10  }
0x35: {  	s10 =	sld [smem:$0x3FB9];
	_ =	sdelay $0x3  }
0x36: {  	p1 =	seq.s32 s10, $0x1;
	s10 =	sld [smem:$0x3FBA];
	_ =	sdelay $0x3  }
0x37: {  	[smem:$0x3FBA] =	sst s10  }
0x38: {  	s10 =	sld [smem:$0x3FBB]  }
0x39: {  	_ = 	snop;
	(pc) =	sbr.ind lr, $3  }
0x3a: {  	_ = 	snop  }
0x3b: {  	_ = 	snop  }
0x3c: {  	p2 =	seq.s32 s10, $0x1;
	s10 =	sld [smem:$0x3FBA]  }
0x3d: {  	_ =	shalt  }
0x3e: {  	_ =	shalt  }
0x3f: {  	_ =	shalt  }
0x40: {  	_ =	shalt  }
0x41: {  	_ =	shalt  }
0x42: {  	_ =	shalt  }
0x43: {  	_ =	shalt  }
0x44: {  	_ =	shalt  }
0x45: {  	_ =	shalt  }
0x46: {  	_ =	shalt  }
0x47: {  	_ =	shalt  }
0x48: {  	_ =	shalt  }
0x49: {  	_ =	shalt  }
0x4a: {  	_ =	shalt  }
0x4b: {  	_ =	shalt  }
0x4c: {  	_ =	shalt  }
0x4d: {  	_ =	shalt  }
0x4e: {  	_ =	shalt  }
0x4f: {  	_ =	shalt  }
0x50: {  	_ =	shalt  }
0x51: {  	_ =	shalt  }
0x52: {  	_ =	shalt  }
0x53: {  	_ =	shalt  }
0x54: {  	_ =	shalt  }
0x55: {  	_ =	shalt  }
0x56: {  	_ =	shalt  }
0x57: {  	_ =	shalt  }
0x58: {  	_ =	shalt  }
0x59: {  	_ =	shalt  }
0x5a: {  	_ =	shalt  }
0x5b: {  	_ =	shalt  }
0x5c: {  	_ =	shalt  }
0x5d: {  	_ =	shalt  }
0x5e: {  	_ =	shalt  }
0x5f: {  	_ =	shalt  }
0x60: {  	_ =	shalt  }
0x61: {  	_ =	shalt  }
0x62: {  	_ =	shalt  }
0x63: {  	_ =	shalt  }
0x64: {  	_ =	shalt  }
0x65: {  	_ =	shalt  }
0x66: {  	_ =	shalt  }
0x67: {  	_ =	shalt  }
0x68: {  	_ =	shalt  }
0x69: {  	_ =	shalt  }
0x6a: {  	_ =	shalt  }
0x6b: {  	_ =	shalt  }
0x6c: {  	_ =	shalt  }
0x6d: {  	_ =	shalt  }
0x6e: {  	_ =	shalt  }
0x6f: {  	_ =	shalt  }
0x70: {  	_ =	shalt  }
0x71: {  	_ =	shalt  }
0x72: {  	_ =	shalt  }
0x73: {  	_ =	shalt  }
0x74: {  	_ =	shalt  }
0x75: {  	_ =	shalt  }
0x76: {  	_ =	shalt  }
0x77: {  	_ =	shalt  }
0x78: {  	_ =	shalt  }
0x79: {  	_ =	shalt  }
0x7a: {  	_ =	shalt  }
0x7b: {  	_ =	shalt  }
0x7c: {  	_ =	shalt  }
0x7d: {  	_ =	shalt  }
0x7e: {  	_ =	shalt  }
0x7f: {  	_ =	shalt  }
0x80: {  	_ =	shalt  }
0x81: {  	_ =	shalt  }
0x82: {  	_ =	shalt  }
0x83: {  	_ =	shalt  }
0x84: {  	_ =	shalt  }
0x85: {  	_ =	shalt  }
0x86: {  	_ =	shalt  }
0x87: {  	_ =	shalt  }
.Lfunc_end0:
.L_simem_size_0:
called_computation_lowered:
.L_overlay_start_0:
0x88: {  	s2 =	sld [smem:$0x3FD9]  }
0x89: {  	s3 =	sld [smem:$0x3FFE];
	_ =	sdelay $0x1  }
0x8a: {  	s1 =	srdreg.scid  }
0x8b: {  	s0 =	sand.u32 $0x1, s1  }
0x8c: {  	s17 =	sshll.u32 s0, $0xA;
	s2 =	sadd.s32 s3, s2  }
0x8d: {  	s2 =	sadd.s32 s2, s17  }
0x8e: {  	[smem:$0x3FC6] =	sst s2  }
0x8f: {  	_ = 	snop  }
0x90: {  	s2 =	sld [smem:$0x3FC9]  }
0x91: {  	s18 =	sld [smem:$0x3FD0];
	(tm) =	ssettm $0x1  }
0x92: {  	s4 =	sld [smem:$0x3FFB];
	_ =	sdelay $0x3  }
0x93: {  	_ =	strace s4  }
0x94: {  	s4 =	sld [smem:$0x3FFC];
	_ =	sdelay $0x3  }
0x95: {  	_ =	strace s4  }
0x96: {  	s4 =	sld [smem:$0x3FFD];
	_ =	sdelay $0x3  }
0x97: {  	_ =	strace s4  }
0x98: {  	_ =	strace $0x8FFFFFFF  }
0x99: {  	s19 =	sld [smem:$0x3FDB];
	_ =	sdelay $0x1  }
0x9a: {  	s5 =	simm.s32 $_scs_section_size  }
0x9b: {  	s6 =	simm.s32 $_size__tile_overlayer_lowered;
	s7 =	simm.s32 $_tile_overlayer_lowered  }
0x9c: {  	s22 =	simm.s32 $0x1BFF;
	s21 =	sshll.u32 s7, $0x1;
	s4 =	sadd.s32 s5, s19  }
0x9d: {  	s8 =	simm.s32 $0x0;
	s20 =	sshll.u32 s6, $0x1;
	s6 =	sadd.s32 s21, s4  }
0x9e: {  	[timem:s8], [sflag:s22] =	dma.local [hbm:s6], s20  }
0x9f: {  	_ =	swait.ge [sflag:s22], s20  }
0xa0: {  	s5 =	ssub.s32 $0x0, s20;
	[sflag:s22] =	ssyncset.done $0x0  }
0xa1: {  	[sflag:s22] =	ssyncadd.s32 s5;
	_ =	sdelay $0x1  }
0xa2: {  	s23 =	simm.s32 $0x1B8B  }
0xa3: {  	_ =	swait.ge [sflag:s23], $0x1  }
0xa4: {  	[sflag:s23] =	ssyncset.done $0x0  }
0xa5: {  	s25 =	simm.s32 $0x1B8E;
	s24 =	sld [smem:$0x3FFE];
	[sflag:s23] =	ssyncadd.s32 $0xFFFFFFFF  }
0xa6: {  	s26 =	simm.s32 $execute0_lowered;
	[smem:$0x3FD2] =	sst s25  }
0xa7: {  	s6 =	sshll.u32 s26, $0x1;
	_ =	strace $0x80000046;
	[dreg:$0x1] =	wrdreg $0xFFFFFFFF  }
0xa8: {  	s28 =	simm.s32 $_size_execute0_lowered;
	s4 =	sadd.s32 s4, s6;
	[dreg:$0x0] =	wrdreg $0x0  }
0xa9: {  	s6 =	sshll.u32 s28, $0x1;
	[dreg:$0x2] =	wrdreg s4  }
0xaa: {  	[dreg:$0x3] =	wrdreg s6  }
0xab: {  	[dreg:$0x4] =	wrdreg $0xC0  }
0xac: {  	_ =	task [dreg:s8], $0x5FFFF  }
0xad: {  	[dreg:$0x1] =	wrdreg $0xFFFFFFFF  }
0xae: {  	[dreg:$0x0] =	wrdreg $0x60  }
0xaf: {  	[dreg:$0x2] =	wrdreg s24  }
0xb0: {  	[dreg:$0x3] =	wrdreg s2  }
0xb1: {  	[dreg:$0x4] =	wrdreg s18  }
0xb2: {  	[dreg:$0x5] =	wrdreg $0x82000  }
0xb3: {  	[dreg:$0x6] =	wrdreg $0x9  }
0xb4: {  	_ =	task.clear_ibuf [dreg:s8], $0x7FFFF;
	_ =	strace $0x90000046  }
0xb5: {  	s29 =	simm.s32 $0x9;
	_ =	strace $0x80000048  }
0xb6: {  	_ =	swait.ge [sflag:s29], $0x1  }
0xb7: {  	[sflag:s29] =	ssyncadd.s32 $0xFFFFFFFF  }
0xb8: {  	_ =	strace $0x90000048  }
0xb9: {  	_ =	sfence  }
0xba: {  	s30 =	sld [smem:$0x0];
	_ =	sdelay $0x2  }
0xbb: {  	s31 =	sshll.u32 s1, $0xD;
	s1 =	sshrl.u32 s1, $0x2  }
0xbc: {  	s3 =	sand.u32 $0x4000, s31;
	s1 =	sadd.s32 s1, s30  }
0xbd: {  	s0 =	sor.u32 s3, s0;
	s1 =	sshll.u32 s1, $0x11  }
0xbe: {  	s0 =	sor.u32 s1, s0  }
0xbf: {  	s0 =	sadd.s32 $0x8F2B, s0  }
0xc0: {  	[sflag:s0] =	ssyncadd.remote.s32 $0x1  }
0xc1: {  	_ =	sfence.sel $0xFFFF  }
0xc2: {  	[dreg:$0x0] =	wrdreg $0xFFFFFFFF;
	(pc) =	sbr.abs _section_cstart, $3  }
0xc3: {  	[dreg:$0x1] =	wrdreg $0xFFFFFFFF  }
0xc4: {  	_ =	task.clear_ibuf [dreg:s8], $0x2FFFF;
	_ =	strace $0x9FFFFFFF  }
0xc5: {  	(tm) =	ssettm $0x7FFFFFFF  }
tec
execute0_lowered:
.L_overlay_start_1:
0x0: {  	(tag) =	ssettag $0x1  }
0x1: {  	s0 =	rddreg [dreg:$0x0]  }
0x2: {  	s4 =	rddreg [dreg:$0x1]  }
0x3: {  	s5 =	rddreg [dreg:$0x2]  }
0x4: {  	s1 =	rddreg [dreg:$0x3];
	s2 =	simm.s32 $0x0;
	s3 =	srdreg.scid  }
0x5: {  	s31 =	simm.s32 $0x3;
	s28 =	simm.s32 $0x2200;
	s29 =	simm.s32 $0x100  }
0x6: {  	s30 =	simm.s32 $0x4200;
	[smem:$0x7FF] =	sst s2;
	s6 =	sand.u32 $0x1, s3  }
0x7: {  	s14 =	sadd.s32 $0x400, s0;
	s3 =	stileid.u32;
	s25 =	sadd.s32 $0xDAC0, s1  }
0x8: {  	s16 =	sadd.s32 $0x1F58, s0;
	s24 =	sadd.s32 $0xBB80, s1;
	s17 =	sadd.s32 $0x1B70, s0  }
0x9: {  	s23 =	sadd.s32 $0x9C40, s1;
	_ =	strace $0x80000047;
	[dreg:$0x5] =	wrdreg s14  }
0xa: {  	s18 =	sadd.s32 $0x1788, s0;
	s22 =	sadd.s32 $0x7D00, s1;
	[dreg:$0x6] =	wrdreg s16  }
0xb: {  	s19 =	sadd.s32 $0x13A0, s0;
	s21 =	sadd.s32 $0x5DC0, s1;
	[dreg:$0x7] =	wrdreg s17  }
0xc: {  	s20 =	sadd.s32 $0xFB8, s0;
	s10 =	sadd.s32 $0xBD0, s0;
	[dreg:$0x8] =	wrdreg s18  }
0xd: {  	s11 =	sadd.s32 $0x7E8, s0;
	s7 =	ssub.s32 $0x2, s6;
	[dreg:$0x9] =	wrdreg s19  }
0xe: {  	s15 =	sshll.u32 s3, $0xA;
	s6 =	sshll.u32 s6, $0x9;
	[dreg:$0xa] =	wrdreg s20  }
0xf: {  	s20 =	sadd.s32 $0x3E80, s1;
	s19 =	sadd.s32 $0x1F40, s1;
	p0 =	sgt.s32 s3, $0x3  }
0x10: {  	p1 =	sgt.s32 s3, $0x1;
	p2 =	seq.s32 s3, $0x0;
	s18 =	sshrl.u32 s1, $0x3  }
0x11: {  	p4 =	seq.s32 s3, $0x2;
	s21 =	sshrl.u32 s21, $0x3;
	p6 =	sgt.s32 s3, $0x5  }
0x12: {  	s22 =	sshrl.u32 s22, $0x3;
	s23 =	sshrl.u32 s23, $0x3;
	s24 =	sshrl.u32 s24, $0x3  }
0x13: {  	s25 =	sshrl.u32 s25, $0x3;
	p3 =	seq.s32 s3, $0x4;
	p5 =	seq.s32 s3, $0x6  }
0x14: {  	s8 =	sshrl.u32 s7, $0x1;
	s6 =	sor.u32 s6, s15;
	s0 =	simm.s32 @!p2 $0x0  }
0x15: {  	s19 =	sshrl.u32 s19, $0x3;
	s20 =	sshrl.u32 s20, $0x3;
	s7 =	ssub.s32 s7, s8  }
0x16: {  	s12 =	sshll.u32 s6, $0x3;
	s26 =	sshrl.u32 s6, $0x3;
	s0 =	simm.s32 @p2 $0x1  }
0x17: {  	p2 =	seq.s32 s3, $0x1;
	s6 =	simm.s32 $0x1;
	s12 =	sadd.s32 s5, s12  }
0x18: {  	s13 =	sadd.s32 s4, s26;
	[smem:$0x7F9] =	sst s0;
	s0 =	simm.s32 @!p2 $0x0  }
0x19: {  	s17 =	smax.u32 s7, $0x1;
	s0 =	simm.s32 @p2 $0x1;
	p2 =	seq.s32 s3, $0x3  }
0x1a: {  	s26 =	simm.s32 $0x200;
	[smem:$0x7FA] =	sst s0;
	s0 =	simm.s32 @!p2 $0x0  }
0x1b: {  	s4 =	simm.s32 $0x180;
	s0 =	simm.s32 @p2 $0x1;
	p2 =	seq.s32 s3, $0x5  }
.Ltmp0:
0x1c: {  	[smem:$0x7FB] =	sst s0;
	s0 =	simm.s32 @!p2 $0x0;
	(pc) =	sbr.rel .LBB2_1-.Ltmp0, $4  }
0x1d: {  	s5 =	simm.s32 $0x6200;
	s0 =	simm.s32 @p2 $0x1;
	p2 =	seq.s32 s3, $0x7  }
0x1e: {  	s7 =	simm.s32 $0x2;
	[smem:$0x7FC] =	sst s0;
	s0 =	simm.s32 @!p2 $0x0  }
0x1f: {  	s14 =	sadd.s32 $0x400, s12;
	s15 =	sadd.s32 $0x800, s12;
	s0 =	simm.s32 @p2 $0x1  }
0x20: {  	s16 =	sadd.s32 $0xC00, s12;
	[smem:$0x7FD] =	sst s0;
	s0 =	simm.s32 $0x80  }
.LBB2_19:
0x21: {  	s8 =	rddreg [dreg:$0x7];
	s9 =	simm.s32 $0x1D83  }
0x22: {  	[spmem:s24], [sflag:s9] =	dma.local [hbm:s8], $0x3E8  }
.LBB2_20:
0x23: {  	_ =	swait.ge [sflag:s31], $0x3E8  }
0x24: {  	[sflag:s31] =	ssyncset.done $0x0  }
0x25: {  	[sflag:s31] =	ssyncadd.s32 $0xFFFFFC18  }
.LBB2_21:
0x26: {  	[tilespmem:s2], [sflag:$0x3] =	stream.linear.gather [hbm4b:s13+s2], $0x200, $0x38;
	[tilespmem:$0x91A0] =	vst v63  }
0x27: {  	_ =	swait.ge [sflag:s31], $0x200  }
0x28: {  	[sflag:s31] =	ssyncset.done $0x0  }
0x29: {  	[sflag:s31] =	ssyncadd.s32 $0xFFFFFE00  }
0x2a: {  	[bflag:$0x0] =	sbarrier.arrive $0xFFFF  }
0x2b: {  	[tilespmem:s26], [sflag:$0x1] =	stream.indirect.gather [spmem:s1], $0x40, s2, s0, $0xb8;
	[tilespmem:$0x91A0] =	vst v63  }
0x2c: {  	_ = 	snop  }
0x2d: {  	[tilespmem:s28], [sflag:$0x1] =	stream.indirect.gather [spmem:s1], $0x40, s0, s0, $0xb8;
	[tilespmem:$0x91A0] =	vst v63  }
0x2e: {  	_ = 	snop  }
0x2f: {  	[tilespmem:s30], [sflag:$0x1] =	stream.indirect.gather [spmem:s1], $0x40, s29, s0, $0xb8;
	[tilespmem:$0x91A0] =	vst v63  }
0x30: {  	_ = 	snop  }
0x31: {  	[tilespmem:s5], [sflag:$0x1] =	stream.indirect.gather [spmem:s1], $0x40, s4, s0, $0xb8;
	[tilespmem:$0x91A0] =	vst v63  }
0x32: {  	_ =	swait.ge [sflag:s6], $0x2000  }
0x33: {  	[sflag:s6] =	ssyncset.done $0x0  }
0x34: {  	[sflag:s6] =	ssyncadd.s32 $0xFFFFE000  }
0x35: {  	[hbm4b:s12+s2] =	stream.linear.scatter [tilespmem:s26], [sflag:$0x2], $0x2000, $0x38;
	[tilespmem:$0x91A0] =	vst v63  }
0x36: {  	_ =	swait.ge [sflag:s6], $0x2000  }
0x37: {  	[sflag:s6] =	ssyncset.done $0x0  }
0x38: {  	[sflag:s6] =	ssyncadd.s32 $0xFFFFE000  }
0x39: {  	[hbm4b:s14+s2] =	stream.linear.scatter [tilespmem:s28], [sflag:$0x2], $0x2000, $0x38;
	[tilespmem:$0x91A0] =	vst v63  }
0x3a: {  	_ =	swait.ge [sflag:s6], $0x2000  }
0x3b: {  	[sflag:s6] =	ssyncset.done $0x0  }
0x3c: {  	[sflag:s6] =	ssyncadd.s32 $0xFFFFE000  }
0x3d: {  	[hbm4b:s15+s2] =	stream.linear.scatter [tilespmem:s30], [sflag:$0x2], $0x2000, $0x38;
	[tilespmem:$0x91A0] =	vst v63  }
0x3e: {  	_ =	swait.ge [sflag:s6], $0x2000  }
0x3f: {  	[sflag:s6] =	ssyncset.done $0x0  }
0x40: {  	[sflag:s6] =	ssyncadd.s32 $0xFFFFE000  }
0x41: {  	[hbm4b:s16+s2] =	stream.linear.scatter [tilespmem:s5], [sflag:$0x2], $0x2000, $0x38;
	[tilespmem:$0x91A0] =	vst v63  }
0x42: {  	_ =	swait.ge [sflag:s7], $0x2000  }
0x43: {  	[sflag:s7] =	ssyncset.done $0x0  }
0x44: {  	[sflag:s7] =	ssyncadd.s32 $0xFFFFE000  }
0x45: {  	_ =	swait.ge [sflag:s7], $0x2000  }
0x46: {  	[sflag:s7] =	ssyncset.done $0x0  }
0x47: {  	s17 =	sadd.s32 $0xFFFFFFFF, s17;
	[sflag:s7] =	ssyncadd.s32 $0xFFFFE000  }
0x48: {  	p2 =	sne.s32 s17, $0x0;
	_ =	swait.ge [sflag:s7], $0x2000  }
.Ltmp1:
0x49: {  	[sflag:s7] =	ssyncset.done $0x0;
	(pc) =	sbr.rel @!p2 .LBB2_22-.Ltmp1, $4  }
0x4a: {  	[sflag:s7] =	ssyncadd.s32 $0xFFFFE000  }
0x4b: {  	_ =	swait.ge [sflag:s7], $0x2000  }
0x4c: {  	[sflag:s7] =	ssyncset.done $0x0  }
0x4d: {  	[sflag:s7] =	ssyncadd.s32 $0xFFFFE000  }
.LBB2_1:
.Ltmp2:
0x4e: {  	(pc) =	sbr.rel @p0 .LBB2_9-.Ltmp2, $1  }
0x4f: {  	_ =	sdelay $0x3  }
.Ltmp3:
0x50: {  	(pc) =	sbr.rel @p1 .LBB2_6-.Ltmp3, $1  }
0x51: {  	_ =	sdelay $0x3  }
0x52: {  	s8 =	sld [smem:$0x7F9];
	_ =	sdelay $0x2  }
0x53: {  	p2 =	seq.s32 s8, $0x1  }
.Ltmp4:
0x54: {  	_ = 	snop;
	(pc) =	sbr.rel @p2 .LBB2_16-.Ltmp4, $1  }
0x55: {  	_ =	sdelay $0x3  }
0x56: {  	s8 =	sld [smem:$0x7FA];
	_ =	sdelay $0x2  }
0x57: {  	p2 =	seq.s32 s8, $0x1  }
.Ltmp5:
0x58: {  	_ = 	snop;
	(pc) =	sbr.rel @!p2 .LBB2_21-.Ltmp5, $1  }
0x59: {  	_ =	sdelay $0x3  }
.Ltmp6:
0x5a: {  	(pc) =	sbr.rel .LBB2_20-.Ltmp6, $3  }
0x5b: {  	_ =	sdelay $0x1  }
0x5c: {  	s8 =	simm.s32 $0x1C43  }
0x5d: {  	[spmem:s19], [sflag:s8] =	dma.local [hbm:s11], $0x3E8  }
.LBB2_9:
.Ltmp7:
0x5e: {  	(pc) =	sbr.rel @p6 .LBB2_13-.Ltmp7, $1  }
0x5f: {  	_ =	sdelay $0x3  }
.Ltmp8:
0x60: {  	(pc) =	sbr.rel @p3 .LBB2_18-.Ltmp8, $1  }
0x61: {  	_ =	sdelay $0x3  }
0x62: {  	s8 =	sld [smem:$0x7FC];
	_ =	sdelay $0x2  }
0x63: {  	p2 =	seq.s32 s8, $0x1  }
.Ltmp9:
0x64: {  	_ = 	snop;
	(pc) =	sbr.rel @!p2 .LBB2_21-.Ltmp9, $1  }
0x65: {  	_ =	sdelay $0x3  }
.Ltmp10:
0x66: {  	(pc) =	sbr.rel .LBB2_20-.Ltmp10, $3  }
0x67: {  	_ =	sdelay $0x1  }
0x68: {  	s8 =	rddreg [dreg:$0x8];
	s9 =	simm.s32 $0x1D43  }
0x69: {  	[spmem:s23], [sflag:s9] =	dma.local [hbm:s8], $0x3E8  }
.LBB2_6:
.Ltmp11:
0x6a: {  	(pc) =	sbr.rel @p4 .LBB2_17-.Ltmp11, $1  }
0x6b: {  	_ =	sdelay $0x3  }
0x6c: {  	s8 =	sld [smem:$0x7FB];
	_ =	sdelay $0x2  }
0x6d: {  	p2 =	seq.s32 s8, $0x1  }
.Ltmp12:
0x6e: {  	_ = 	snop;
	(pc) =	sbr.rel @!p2 .LBB2_21-.Ltmp12, $1  }
0x6f: {  	_ =	sdelay $0x3  }
.Ltmp13:
0x70: {  	(pc) =	sbr.rel .LBB2_20-.Ltmp13, $3  }
0x71: {  	_ =	sdelay $0x1  }
0x72: {  	s8 =	rddreg [dreg:$0xa];
	s9 =	simm.s32 $0x1CC3  }
0x73: {  	[spmem:s21], [sflag:s9] =	dma.local [hbm:s8], $0x3E8  }
.LBB2_13:
.Ltmp14:
0x74: {  	(pc) =	sbr.rel @p5 .LBB2_19-.Ltmp14, $1  }
0x75: {  	_ =	sdelay $0x3  }
0x76: {  	s8 =	sld [smem:$0x7FD];
	_ =	sdelay $0x2  }
0x77: {  	p2 =	seq.s32 s8, $0x1  }
.Ltmp15:
0x78: {  	_ = 	snop;
	(pc) =	sbr.rel @!p2 .LBB2_21-.Ltmp15, $1  }
0x79: {  	_ =	sdelay $0x3  }
.Ltmp16:
0x7a: {  	(pc) =	sbr.rel .LBB2_20-.Ltmp16, $3  }
0x7b: {  	_ =	sdelay $0x1  }
0x7c: {  	s8 =	rddreg [dreg:$0x6];
	s9 =	simm.s32 $0x1DC3  }
0x7d: {  	[spmem:s25], [sflag:s9] =	dma.local [hbm:s8], $0x3E8  }
.LBB2_16:
.Ltmp17:
0x7e: {  	(pc) =	sbr.rel .LBB2_20-.Ltmp17, $3  }
0x7f: {  	_ =	sdelay $0x1  }
0x80: {  	s8 =	rddreg [dreg:$0x5];
	s9 =	simm.s32 $0x1C03  }
0x81: {  	[spmem:s18], [sflag:s9] =	dma.local [hbm:s8], $0x3E8  }
.LBB2_18:
.Ltmp18:
0x82: {  	(pc) =	sbr.rel .LBB2_20-.Ltmp18, $3  }
0x83: {  	_ =	sdelay $0x1  }
0x84: {  	s8 =	rddreg [dreg:$0x9];
	s9 =	simm.s32 $0x1D03  }
0x85: {  	[spmem:s22], [sflag:s9] =	dma.local [hbm:s8], $0x3E8  }
.LBB2_17:
.Ltmp19:
0x86: {  	(pc) =	sbr.rel .LBB2_20-.Ltmp19, $3  }
0x87: {  	_ =	sdelay $0x1  }
0x88: {  	s8 =	simm.s32 $0x1C83  }
0x89: {  	[spmem:s20], [sflag:s8] =	dma.local [hbm:s10], $0x3E8  }
.LBB2_22:
0x8a: {  	_ =	sfence.sel $0x180000  }
0x8b: {  	[bflag:$0x0] =	sbarrier.arrive $0xFFFF  }
0x8c: {  	_ =	strace $0x90000047  }
0x8d: {  	[bflag:$0x2] =	sbarrier.arrive $0xFFFF  }
0x8e: {  	p0 =	sne.s32 s3, $0x0;
	s0 =	rddreg [dreg:$0x4]  }
0x8f: {  	s0 =	sadd.s32 @!p0 $0x100000, s0  }
0x90: {  	[sflag:s0] =	ssyncadd.tile.s32 @!p0 $0x1;
	_ =	shalt  }
.Lfunc_end2:
_tile_overlayer_lowered:
.L_overlay_start_2:
0x91: {  	(tag) =	ssettag $0x2  }
0x92: {  	s0 =	rddreg [dreg:$0x0];
	s2 =	stileid.u32  }
0x93: {  	s1 =	rddreg [dreg:$0x1];
	p0 =	sne.s32 s2, $0x0  }
0x94: {  	s3 =	rddreg [dreg:$0x2];
	[bflag:$0x3] =	sbarrier.arrive $0xFFFF;
	s2 =	simm.s32 @!p0 $0x1C03  }
0x95: {  	[timem:s3], [sflag:s2] =	dma.local @!p0 [hbm:s0], s1  }
0x96: {  	s0 =	simm.s32 @!p0 $0x3  }
0x97: {  	_ =	swait.ge @!p0 [sflag:s0], s1  }
0x98: {  	s1 =	ssub.s32 @!p0 $0x0, s1;
	[sflag:s0] =	ssyncset.done @!p0 $0x0  }
0x99: {  	[sflag:s0] =	ssyncadd.s32 @!p0 s1  }
0x9a: {  	[bflag:$0x3] =	sbarrier.arrive $0xFFFF  }
0x9b: {  	_ =	shalt  }

</sc_bundles>
